<compile_context>
chip_gen: v7x
topology: tpu7x:2x2x1
jax: 0.10.2.dev20260603
libtpu: 0.0.44.dev20260713+nightly
codegen_flags: <defaults>
</compile_context>

<pallas_src>
import jax
import jax.numpy as jnp
from jax import lax
from jax.experimental import pallas as pl
from jax.experimental.pallas import tpu as pltpu
from jax.experimental.pallas import tpu_sc as plsc

_VOCAB = 100000
_PAD = 1
_LANES = 16


def _sc_body(ids_hbm, beta_hbm, out_hbm, ids_v, row_v, vals_v, beta_v):
    nc = 2
    rows_per_w, lp = ids_v.shape
    groups = lp // _LANES
    wid = lax.axis_index("s") * nc + lax.axis_index("c")
    base = wid * rows_per_w

    pltpu.sync_copy(ids_hbm.at[pl.ds(base, rows_per_w)], ids_v)
    pltpu.sync_copy(beta_hbm, beta_v)
    escale = jnp.exp(beta_v[...])

    zeros16 = jnp.zeros((_LANES,), jnp.float32)
    ones16 = jnp.ones((_LANES,), jnp.float32)

    def _zero(i, _):
        row_v[pl.ds(i * _LANES, _LANES)] = zeros16
        return _

    lax.fori_loop(0, _VOCAB // _LANES, _zero, None)

    def _row(r, _):
        def _add(j, _c):
            idx = ids_v[r, pl.ds(j * _LANES, _LANES)]
            plsc.addupdate_scatter(row_v, [idx], ones16)
            return _c

        lax.fori_loop(0, groups, _add, None)

        def _gather(j, _c):
            idx = ids_v[r, pl.ds(j * _LANES, _LANES)]
            c = plsc.load_gather(row_v, [idx])
            v = c / (c + escale)
            v = jnp.where(idx == _PAD, 0.0, v)
            vals_v[pl.ds(j * _LANES, _LANES)] = v
            return _c

        lax.fori_loop(0, groups, _gather, None)

        def _scat(j, _c):
            idx = ids_v[r, pl.ds(j * _LANES, _LANES)]
            plsc.store_scatter(row_v, [idx], vals_v[pl.ds(j * _LANES, _LANES)])
            return _c

        lax.fori_loop(0, groups, _scat, None)

        pltpu.sync_copy(row_v, out_hbm.at[base + r])

        def _restore(j, _c):
            idx = ids_v[r, pl.ds(j * _LANES, _LANES)]
            plsc.store_scatter(row_v, [idx], zeros16)
            return _c

        lax.fori_loop(0, groups, _restore, None)
        return _

    lax.fori_loop(0, rows_per_w, _row, None)


def kernel(input_ids, beta):
    b, l = input_ids.shape
    nw = 32
    nsplit = 1
    rows_per_w = b // (nw * nsplit)
    lp = -(-l // _LANES) * _LANES
    ids = jnp.pad(input_ids, ((0, 0), (0, lp - l)), constant_values=_PAD)
    beta_vec = jnp.broadcast_to(beta.astype(jnp.float32), (_LANES,))

    mesh = plsc.VectorSubcoreMesh(core_axis_name="c", subcore_axis_name="s")
    run = pl.kernel(
        _sc_body,
        out_type=jax.ShapeDtypeStruct((b // nsplit, _VOCAB), jnp.float32),
        mesh=mesh,
        scratch_types=[
            pltpu.VMEM((rows_per_w, lp), jnp.int32),
            pltpu.VMEM((_VOCAB,), jnp.float32),
            pltpu.VMEM((lp,), jnp.float32),
            pltpu.VMEM((_LANES,), jnp.float32),
        ],
        compiler_params=pltpu.CompilerParams(needs_layout_passes=False),
    )
    rows = b // nsplit
    parts = [
        run(lax.slice_in_dim(ids, s * rows, (s + 1) * rows, axis=0), beta_vec)
        for s in range(nsplit)
    ]
    enc = jnp.concatenate(parts, axis=0) if nsplit > 1 else parts[0]

    br, bc = 1024, 128

    def _tp_body(x_ref, o_ref):
        o_ref[...] = x_ref[...].T

    tp = pl.pallas_call(
        _tp_body,
        out_shape=jax.ShapeDtypeStruct((_VOCAB, b), jnp.float32),
        grid=(b // br, -(-_VOCAB // bc)),
        in_specs=[pl.BlockSpec((br, bc), lambda i, j: (i, j))],
        out_specs=pl.BlockSpec((bc, br), lambda i, j: (j, i)),
    )
    return tp(enc).T

# --- scband reference (transcript-rebuilt; emitter-appended) ---
"""Pipeline reference for scband-doc-encoder-1185410973873 (READ-ONLY COPY).

The authoritative reference and input builder live on the scoring server;
editing this copy changes nothing except your own understanding.
"""

import jax, jax.numpy as jnp
import numpy as np

VOCAB = 100000
BETA_INIT = 0.5


def setup_inputs(seed: int = 0) -> dict:
    key = jax.random.key(seed)
    k1, _ = jax.random.split(key)
    input_ids = jax.random.randint(k1, (1024, 200), 0, VOCAB, dtype=jnp.int32)
    beta = jnp.asarray(BETA_INIT, dtype=jnp.float32)
    return {"input_ids": input_ids, "beta": beta}


def reference(input_ids, beta):
    # doc_features = F.one_hot(docs, vocab).sum(-2)  ==  per-row bincount via scatter-add
    B, L = input_ids.shape
    rows = jnp.repeat(jnp.arange(B, dtype=input_ids.dtype), L)
    cols = input_ids.reshape(-1)
    doc_features = jnp.zeros((B, VOCAB), dtype=jnp.float32).at[rows, cols].add(1.0)
    # PAD_TOKEN = 1; zero its column
    doc_features = doc_features.at[:, 1].set(0.0)
    # non-BM25 branch: encoded = doc_features / (doc_features + exp(beta))
    denom = doc_features + jnp.exp(beta)
    encoded = doc_features / denom
    return encoded

if __name__ == "__main__":
    import jax
    _d = setup_inputs()
    print(jax.jit(kernel)(*tuple(_d.values())))

</pallas_src>

<mosaic_0001>
#map = affine_map<(d0, d1) -> (0, 0)>
#map1 = affine_map<(d0, d1) -> (0)>
module attributes {stable_mosaic.version = 14 : i64} {
  func.func @_sc_body(%arg0: i32, %arg1: i32, %arg2: memref<1024x208xi32, #tpu.memory_space<hbm>>, %arg3: memref<16xf32, #tpu.memory_space<hbm>>, %arg4: memref<1024x100000xf32, #tpu.memory_space<hbm>>, %arg5: memref<32x208xi32, #tpu.memory_space<vmem>>, %arg6: memref<100000xf32, #tpu.memory_space<vmem>>, %arg7: memref<208xf32, #tpu.memory_space<vmem>>, %arg8: memref<16xf32, #tpu.memory_space<vmem>>) attributes {dimension_semantics = [#tpu.dimension_semantics<core_parallel>, #tpu.dimension_semantics<subcore_parallel>], iteration_bounds = array<i64: 2, 16>, scalar_prefetch = 0 : i64, scratch_operands = 4 : i64, tpu.core_type = #tpu.core_type<sc_vector_subcore>, window_params = [{transform_indices = #map}, {transform_indices = #map1}, {transform_indices = #map}]} {
    %mul3A = arith.constant 2 : i32
    %mul3A_0 = arith.muli %arg1, %mul3A : i32
    %add3A = arith.addi %mul3A_0, %arg0 : i32
    %mul3A_1 = arith.constant 32 : i32
    %mul3A_2 = arith.muli %add3A, %mul3A_1 : i32
    "tpu.region"() ({
      %run_scoped3A = tpu.sem_alloc : memref<!tpu.dma_semaphore, #tpu.memory_space<semaphore_mem>>
      %dma_start3A = arith.constant 0 : i32
      %dma_start3A_16 = tpu.memref_slice %arg2[%mul3A_2, %dma_start3A] : memref<1024x208xi32, #tpu.memory_space<hbm>> -> memref<32x208xi32, #tpu.memory_space<hbm>>
      %dma_start3A_17 = arith.constant 0 : i32
      %dma_start3A_18 = tpu.memref_slice %arg2[%mul3A_2, %dma_start3A_17] : memref<1024x208xi32, #tpu.memory_space<hbm>> -> memref<32x208xi32, #tpu.memory_space<hbm>>
      tpu.enqueue_dma source(%dma_start3A_18 : memref<32x208xi32, #tpu.memory_space<hbm>>) target(%arg5 : memref<32x208xi32, #tpu.memory_space<vmem>>) target_semaphore(%run_scoped3A : memref<!tpu.dma_semaphore, #tpu.memory_space<semaphore_mem>>)
      %dma_wait3A = arith.constant 0 : i32
      %dma_wait3A_19 = tpu.memref_slice %arg2[%mul3A_2, %dma_wait3A] : memref<1024x208xi32, #tpu.memory_space<hbm>> -> memref<32x208xi32, #tpu.memory_space<hbm>>
      %dma_wait3A_20 = arith.constant 0 : i32
      %dma_wait3A_21 = tpu.memref_slice %arg2[%mul3A_2, %dma_wait3A_20] : memref<1024x208xi32, #tpu.memory_space<hbm>> -> memref<32x208xi32, #tpu.memory_space<hbm>>
      tpu.wait_dma2 semaphore(%run_scoped3A : memref<!tpu.dma_semaphore, #tpu.memory_space<semaphore_mem>>) src(%dma_wait3A_21 : memref<32x208xi32, #tpu.memory_space<hbm>>) dst(%arg5 : memref<32x208xi32, #tpu.memory_space<vmem>>)
      tpu.yield
    }) : () -> ()
    "tpu.region"() ({
      %run_scoped3A = tpu.sem_alloc : memref<!tpu.dma_semaphore, #tpu.memory_space<semaphore_mem>>
      tpu.enqueue_dma source(%arg3 : memref<16xf32, #tpu.memory_space<hbm>>) target(%arg8 : memref<16xf32, #tpu.memory_space<vmem>>) target_semaphore(%run_scoped3A : memref<!tpu.dma_semaphore, #tpu.memory_space<semaphore_mem>>)
      tpu.wait_dma2 semaphore(%run_scoped3A : memref<!tpu.dma_semaphore, #tpu.memory_space<semaphore_mem>>) src(%arg3 : memref<16xf32, #tpu.memory_space<hbm>>) dst(%arg8 : memref<16xf32, #tpu.memory_space<vmem>>)
      tpu.yield
    }) : () -> ()
    %get3A = arith.constant 0 : index
    %get3A_3 = tpu.vector_load %arg8[%get3A] {strides = array<i32>} : memref<16xf32, #tpu.memory_space<vmem>>, vector<16xf32>,
    %exp3A = math.exp %get3A_3 : vector<16xf32>
    %broadcast_in_dim3A = arith.constant 0.000000e+00 : f32
    %broadcast_in_dim3A_4 = vector.broadcast %broadcast_in_dim3A : f32 to vector<16xf32>
    %broadcast_in_dim3A_5 = arith.constant 1.000000e+00 : f32
    %broadcast_in_dim3A_6 = vector.broadcast %broadcast_in_dim3A_5 : f32 to vector<16xf32>
    %scan3A = arith.constant 0 : i32
    %scan3A_7 = arith.constant 6250 : i32
    %scan3A_8 = arith.addi %scan3A, %scan3A_7 : i32
    %scan3A_9 = arith.constant 1 : i32
    scf.for %scan3A_16 = %scan3A to %scan3A_8 step %scan3A_9  : i32 {
      %mul3A_17 = arith.constant 16 : i32
      %mul3A_18 = arith.muli %scan3A_16, %mul3A_17 : i32
      %swap3A = arith.index_cast %mul3A_18 : i32 to index
      %swap3A_19 = tpu.vector_load %arg6[%swap3A] {strides = array<i32>} : memref<100000xf32, #tpu.memory_space<vmem>>, vector<16xf32>,
      tpu.vector_store %arg6[%swap3A], %broadcast_in_dim3A_4 {strides = array<i32>} : memref<100000xf32, #tpu.memory_space<vmem>>, vector<16xf32>,
    }
    %scan3A_10 = arith.constant 6250 : i32
    %scan3A_11 = arith.constant 0 : i32
    %scan3A_12 = arith.constant 32 : i32
    %scan3A_13 = arith.addi %scan3A_11, %scan3A_12 : i32
    %scan3A_14 = arith.constant 1 : i32
    scf.for %scan3A_16 = %scan3A_11 to %scan3A_13 step %scan3A_14  : i32 {
      %scan3A_17 = arith.constant 0 : i32
      %scan3A_18 = arith.constant 13 : i32
      %scan3A_19 = arith.addi %scan3A_17, %scan3A_18 : i32
      %scan3A_20 = arith.constant 1 : i32
      scf.for %scan3A_38 = %scan3A_17 to %scan3A_19 step %scan3A_20  : i32 {
        %mul3A_39 = arith.constant 16 : i32
        %mul3A_40 = arith.muli %scan3A_38, %mul3A_39 : i32
        %get3A_41 = arith.index_cast %scan3A_16 : i32 to index
        %get3A_42 = arith.index_cast %mul3A_40 : i32 to index
        %get3A_43 = tpu.vector_load %arg5[%get3A_41, %get3A_42] {strides = array<i32>} : memref<32x208xi32, #tpu.memory_space<vmem>>, vector<16xi32>,
        tpu.vector_store_idx %arg6[%get3A_43], %broadcast_in_dim3A_6 {add = true} : memref<100000xf32, #tpu.memory_space<vmem>>[vector<16xi32>], vector<16xf32>,
      }
      %scan3A_21 = arith.constant 13 : i32
      %scan3A_22 = arith.constant 0 : i32
      %scan3A_23 = arith.constant 13 : i32
      %scan3A_24 = arith.addi %scan3A_22, %scan3A_23 : i32
      %scan3A_25 = arith.constant 1 : i32
      scf.for %scan3A_38 = %scan3A_22 to %scan3A_24 step %scan3A_25  : i32 {
        %mul3A_39 = arith.constant 16 : i32
        %mul3A_40 = arith.muli %scan3A_38, %mul3A_39 : i32
        %get3A_41 = arith.index_cast %scan3A_16 : i32 to index
        %get3A_42 = arith.index_cast %mul3A_40 : i32 to index
        %get3A_43 = tpu.vector_load %arg5[%get3A_41, %get3A_42] {strides = array<i32>} : memref<32x208xi32, #tpu.memory_space<vmem>>, vector<16xi32>,
        %gather3A = tpu.vector_load_idx %arg6[%get3A_43] : memref<100000xf32, #tpu.memory_space<vmem>>[vector<16xi32>], vector<16xf32>,
        %add3A_44 = arith.addf %gather3A, %exp3A : vector<16xf32>
        %div3A = arith.divf %gather3A, %add3A_44 : vector<16xf32>
        %eq3A = arith.constant 1 : i32
        %eq3A_45 = vector.broadcast %eq3A : i32 to vector<16xi32>
        %eq3A_46 = arith.cmpi eq, %get3A_43, %eq3A_45 : vector<16xi32>
        %jit3A = arith.constant 0.000000e+00 : f32
        %broadcast_in_dim3A_47 = vector.broadcast %jit3A : f32 to vector<16xf32>
        %select_n3A = arith.select %eq3A_46, %broadcast_in_dim3A_47, %div3A : vector<16xi1>, vector<16xf32>
        %mul3A_48 = arith.constant 16 : i32
        %mul3A_49 = arith.muli %scan3A_38, %mul3A_48 : i32
        %swap3A = arith.index_cast %mul3A_49 : i32 to index
        %swap3A_50 = tpu.vector_load %arg7[%swap3A] {strides = array<i32>} : memref<208xf32, #tpu.memory_space<vmem>>, vector<16xf32>,
        tpu.vector_store %arg7[%swap3A], %select_n3A {strides = array<i32>} : memref<208xf32, #tpu.memory_space<vmem>>, vector<16xf32>,
      }
      %scan3A_26 = arith.constant 13 : i32
      %scan3A_27 = arith.constant 0 : i32
      %scan3A_28 = arith.constant 13 : i32
      %scan3A_29 = arith.addi %scan3A_27, %scan3A_28 : i32
      %scan3A_30 = arith.constant 1 : i32
      scf.for %scan3A_38 = %scan3A_27 to %scan3A_29 step %scan3A_30  : i32 {
        %mul3A_39 = arith.constant 16 : i32
        %mul3A_40 = arith.muli %scan3A_38, %mul3A_39 : i32
        %get3A_41 = arith.index_cast %scan3A_16 : i32 to index
        %get3A_42 = arith.index_cast %mul3A_40 : i32 to index
        %get3A_43 = tpu.vector_load %arg5[%get3A_41, %get3A_42] {strides = array<i32>} : memref<32x208xi32, #tpu.memory_space<vmem>>, vector<16xi32>,
        %mul3A_44 = arith.constant 16 : i32
        %mul3A_45 = arith.muli %scan3A_38, %mul3A_44 : i32
        %get3A_46 = arith.index_cast %mul3A_45 : i32 to index
        %get3A_47 = tpu.vector_load %arg7[%get3A_46] {strides = array<i32>} : memref<208xf32, #tpu.memory_space<vmem>>, vector<16xf32>,
        tpu.vector_store_idx %arg6[%get3A_43], %get3A_47 : memref<100000xf32, #tpu.memory_space<vmem>>[vector<16xi32>], vector<16xf32>,
      }
      %scan3A_31 = arith.constant 13 : i32
      %add3A_32 = arith.addi %mul3A_2, %scan3A_16 : i32
      "tpu.region"() ({
        %run_scoped3A = tpu.sem_alloc : memref<!tpu.dma_semaphore, #tpu.memory_space<semaphore_mem>>
        %dma_start3A = arith.constant 0 : i32
        %dma_start3A_38 = tpu.memref_slice %arg4[%add3A_32, %dma_start3A] : memref<1024x100000xf32, #tpu.memory_space<hbm>> -> memref<1x100000xf32, #tpu.memory_space<hbm>>
        %dma_start3A_39 = tpu.memref_squeeze %dma_start3A_38 : memref<1x100000xf32, #tpu.memory_space<hbm>> -> memref<100000xf32, #tpu.memory_space<hbm>>
        %dma_start3A_40 = arith.constant 0 : i32
        %dma_start3A_41 = tpu.memref_slice %arg4[%add3A_32, %dma_start3A_40] : memref<1024x100000xf32, #tpu.memory_space<hbm>> -> memref<1x100000xf32, #tpu.memory_space<hbm>>
        %dma_start3A_42 = tpu.memref_squeeze %dma_start3A_41 : memref<1x100000xf32, #tpu.memory_space<hbm>> -> memref<100000xf32, #tpu.memory_space<hbm>>
        tpu.enqueue_dma source(%arg6 : memref<100000xf32, #tpu.memory_space<vmem>>) target(%dma_start3A_42 : memref<100000xf32, #tpu.memory_space<hbm>>) target_semaphore(%run_scoped3A : memref<!tpu.dma_semaphore, #tpu.memory_space<semaphore_mem>>)
        %dma_wait3A = arith.constant 0 : i32
        %dma_wait3A_43 = tpu.memref_slice %arg4[%add3A_32, %dma_wait3A] : memref<1024x100000xf32, #tpu.memory_space<hbm>> -> memref<1x100000xf32, #tpu.memory_space<hbm>>
        %dma_wait3A_44 = tpu.memref_squeeze %dma_wait3A_43 : memref<1x100000xf32, #tpu.memory_space<hbm>> -> memref<100000xf32, #tpu.memory_space<hbm>>
        %dma_wait3A_45 = arith.constant 0 : i32
        %dma_wait3A_46 = tpu.memref_slice %arg4[%add3A_32, %dma_wait3A_45] : memref<1024x100000xf32, #tpu.memory_space<hbm>> -> memref<1x100000xf32, #tpu.memory_space<hbm>>
        %dma_wait3A_47 = tpu.memref_squeeze %dma_wait3A_46 : memref<1x100000xf32, #tpu.memory_space<hbm>> -> memref<100000xf32, #tpu.memory_space<hbm>>
        tpu.wait_dma2 semaphore(%run_scoped3A : memref<!tpu.dma_semaphore, #tpu.memory_space<semaphore_mem>>) src(%arg6 : memref<100000xf32, #tpu.memory_space<vmem>>) dst(%dma_wait3A_47 : memref<100000xf32, #tpu.memory_space<hbm>>)
        tpu.yield
      }) : () -> ()
      %scan3A_33 = arith.constant 0 : i32
      %scan3A_34 = arith.constant 13 : i32
      %scan3A_35 = arith.addi %scan3A_33, %scan3A_34 : i32
      %scan3A_36 = arith.constant 1 : i32
      scf.for %scan3A_38 = %scan3A_33 to %scan3A_35 step %scan3A_36  : i32 {
        %mul3A_39 = arith.constant 16 : i32
        %mul3A_40 = arith.muli %scan3A_38, %mul3A_39 : i32
        %get3A_41 = arith.index_cast %scan3A_16 : i32 to index
        %get3A_42 = arith.index_cast %mul3A_40 : i32 to index
        %get3A_43 = tpu.vector_load %arg5[%get3A_41, %get3A_42] {strides = array<i32>} : memref<32x208xi32, #tpu.memory_space<vmem>>, vector<16xi32>,
        tpu.vector_store_idx %arg6[%get3A_43], %broadcast_in_dim3A_4 : memref<100000xf32, #tpu.memory_space<vmem>>[vector<16xi32>], vector<16xf32>,
      }
      %scan3A_37 = arith.constant 13 : i32
    }
    %scan3A_15 = arith.constant 32 : i32
    return
  }
}

module attributes {stable_mosaic.version = 14 : i64} {
  func.func @_tp_body(%arg0: i32, %arg1: i32, %arg2: memref<1024x128xf32, #tpu.memory_space<vmem>>, %arg3: memref<128x1024xf32, #tpu.memory_space<vmem>>) attributes {dimension_semantics = [#tpu.dimension_semantics<arbitrary>, #tpu.dimension_semantics<arbitrary>], iteration_bounds = array<i64: 1, 782>, scalar_prefetch = 0 : i64, scratch_operands = 0 : i64, tpu.core_type = #tpu.core_type<tc>, window_params = [{transform_indices = @transform_0, window_bounds = array<i64: 1024, 128>}, {transform_indices = @transform_1, window_bounds = array<i64: 128, 1024>}]} {
    %get3A = arith.constant 0 : index
    %get3A_0 = arith.constant 0 : index
    %get3A_1 = vector.load %arg2[%get3A, %get3A_0] : memref<1024x128xf32, #tpu.memory_space<vmem>>, vector<1024x128xf32>
    %transpose3A = tpu.transpose %get3A_1, [1, 0] : vector<1024x128xf32> -> vector<128x1024xf32>
    %swap3A = arith.constant 0 : index
    %swap3A_2 = arith.constant 0 : index
    %swap3A_3 = vector.load %arg3[%swap3A, %swap3A_2] : memref<128x1024xf32, #tpu.memory_space<vmem>>, vector<128x1024xf32>
    tpu.vector_store %arg3[%swap3A, %swap3A_2], %transpose3A {strides = array<i32>} : memref<128x1024xf32, #tpu.memory_space<vmem>>, vector<128x1024xf32>,
    return
  }
  func.func @transform_0(%arg0: i32, %arg1: i32) -> (i32, i32) {
    %c0_i32 = arith.constant 0 : i32
    return %arg0, %arg1 : i32, i32
  }
  func.func @transform_1(%arg0: i32, %arg1: i32) -> (i32, i32) {
    %c0_i32 = arith.constant 0 : i32
    return %arg1, %arg0 : i32, i32
  }
}

</mosaic_0001>

<sc_bundles>
// kernel: kernel.4.cloned.1.call-start
scs
__scs_entry_jumppad:
0x0: {  	(pc) =	sbr.rel $0x88, $3  }
0x1: {  	(tag) =	ssettag $0x0;
	lr =	simm.s32 $0x1  }
0x2: {  	[smem:$0x3F9F] =	sst lr;
	_ =	strace $0xD0000000  }
0x3: {  	_ = 	snop  }
0x4: {  	_ = 	snop  }
0x5: {  	_ = 	snop  }
0x6: {  	_ = 	snop  }
0x7: {  	_ = 	snop  }
__scs_overlays_trampoline_lowered:
0x8: {  	[smem:$0x3FAE] =	sst s0  }
0x9: {  	[smem:$0x3FAF] =	sst s1  }
0xa: {  	[smem:$0x3FB0] =	sst s2  }
0xb: {  	[smem:$0x3FB1] =	sst s3  }
0xc: {  	[smem:$0x3FB2] =	sst s4  }
0xd: {  	[smem:$0x3FB3] =	sst s5  }
0xe: {  	[smem:$0x3FB4] =	sst s6  }
0xf: {  	[smem:$0x3FB5] =	sst s7  }
0x10: {  	[smem:$0x3FB6] =	sst s8  }
0x11: {  	[smem:$0x3FB7] =	sst s9;
	s0 =	simm.s32 @!p0 $0x0  }
0x12: {  	s1 =	sld [smem:$0x3F9D];
	s0 =	simm.s32 @p0 $0x1  }
0x13: {  	[smem:$0x3FB8] =	sst s0;
	s0 =	simm.s32 @!p1 $0x0  }
0x14: {  	s2 =	sld [smem:$0x3F9C];
	s0 =	simm.s32 @p1 $0x1  }
0x15: {  	[smem:$0x3FB9] =	sst s0;
	s0 =	simm.s32 @!p2 $0x0  }
0x16: {  	s3 =	sld [smem:$0x3FDB];
	s0 =	simm.s32 @p2 $0x1  }
0x17: {  	s4 =	simm.s32 $0x1BF5;
	[smem:$0x3FBB] =	sst s0  }
0x18: {  	s0 =	sld [smem:$0x3F9E];
	_ =	swait.ge [sflag:s4], $0x0  }
0x19: {  	s7 =	sld [smem:$0x3F9F]  }
0x1a: {  	s8 =	sadd.s32 $0xFFFFE003, lr  }
0x1b: {  	s9 =	sadd.s32 $0xFFFFFEF7, lr;
	s5 =	simm.s32 $0xFFFFFFFF;
	p2 =	slt.u32 s8, $0xFFFFF086  }
0x1c: {  	p1 =	slt.u32 s9, $0xF7A;
	s5 =	simm.s32 @!p2 $0x0  }
0x1d: {  	s5 =	simm.s32 @p1 $0x1;
	p0 =	seq.s32 s7, s2  }
0x1e: {  	s7 =	smul.u32 @!p0 $0xF7A, s2;
	p2 =	seq.s32 @!p0 s5, $0x0  }
0x1f: {  	s9 =	smul.u32 $0xF7A, s1;
	s8 =	simm.s32 @!p0 $0x1BF5;
	p2 =	por !p2, p0  }
0x20: {  	[sflag:s8] =	ssyncset.s32 @!p0 $0xFFFFF086;
	s6 =	sadd.s32 @!p0 s3, s7;
	s7 =	simm.s32 @!p0 $0x108  }
0x21: {  	s3 =	sadd.s32 s3, s9;
	s6 =	sadd.s32 @!p0 $0x88, s6;
	s7 =	simm.s32 @p2 $0x1082  }
0x22: {  	[simem:s7], [sflag:s8] =	dma.local @!p0 [hbm:s6], $0xF7A  }
0x23: {  	s9 =	sor.u32 $0xD0000000, s2;
	s6 =	simm.s32 $0x108;
	_ =	swait.ge @!p0 [sflag:s8], $0x0  }
0x24: {  	s3 =	sadd.s32 $0x88, s3;
	s6 =	simm.s32 @!p1 $0x1082;
	[sflag:s4] =	ssyncset.s32 $0xFFFFF086  }
0x25: {  	[simem:s6], [sflag:s4] =	dma.local [hbm:s3], $0xF7A  }
0x26: {  	[smem:$0x3F9F] =	sst s1;
	(tag) =	ssettag s2;
	_ =	strace s9  }
0x27: {  	s1 =	sld [smem:$0x3FAF]  }
0x28: {  	s2 =	sld [smem:$0x3FB0]  }
0x29: {  	s4 =	sld [smem:$0x3FB2]  }
0x2a: {  	p0 =	seq.s32 s5, $0x0;
	s5 =	sld [smem:$0x3FB3]  }
0x2b: {  	s6 =	sld [smem:$0x3FB4]  }
0x2c: {  	s7 =	sld [smem:$0x3FB5]  }
0x2d: {  	s3 =	simm.s32 $0x108;
	s8 =	sld [smem:$0x3FB6]  }
0x2e: {  	s3 =	simm.s32 @!p0 $0x1082;
	s9 =	sld [smem:$0x3FB7]  }
0x2f: {  	lr =	sadd.s32 s0, s3;
	s0 =	sld [smem:$0x3FAE]  }
0x30: {  	s3 =	sld [smem:$0x3FB1]  }
0x31: {  	[smem:$0x3FBA] =	sst s10  }
0x32: {  	s10 =	sld [smem:$0x3FB8];
	_ =	sdelay $0x3  }
0x33: {  	p0 =	seq.s32 s10, $0x1;
	s10 =	sld [smem:$0x3FBA];
	_ =	sdelay $0x3  }
0x34: {  	[smem:$0x3FBA] =	sst s10  }
0x35: {  	s10 =	sld [smem:$0x3FB9];
	_ =	sdelay $0x3  }
0x36: {  	p1 =	seq.s32 s10, $0x1;
	s10 =	sld [smem:$0x3FBA];
	_ =	sdelay $0x3  }
0x37: {  	[smem:$0x3FBA] =	sst s10  }
0x38: {  	s10 =	sld [smem:$0x3FBB]  }
0x39: {  	_ = 	snop;
	(pc) =	sbr.ind lr, $3  }
0x3a: {  	_ = 	snop  }
0x3b: {  	_ = 	snop  }
0x3c: {  	p2 =	seq.s32 s10, $0x1;
	s10 =	sld [smem:$0x3FBA]  }
0x3d: {  	_ =	shalt  }
0x3e: {  	_ =	shalt  }
0x3f: {  	_ =	shalt  }
0x40: {  	_ =	shalt  }
0x41: {  	_ =	shalt  }
0x42: {  	_ =	shalt  }
0x43: {  	_ =	shalt  }
0x44: {  	_ =	shalt  }
0x45: {  	_ =	shalt  }
0x46: {  	_ =	shalt  }
0x47: {  	_ =	shalt  }
0x48: {  	_ =	shalt  }
0x49: {  	_ =	shalt  }
0x4a: {  	_ =	shalt  }
0x4b: {  	_ =	shalt  }
0x4c: {  	_ =	shalt  }
0x4d: {  	_ =	shalt  }
0x4e: {  	_ =	shalt  }
0x4f: {  	_ =	shalt  }
0x50: {  	_ =	shalt  }
0x51: {  	_ =	shalt  }
0x52: {  	_ =	shalt  }
0x53: {  	_ =	shalt  }
0x54: {  	_ =	shalt  }
0x55: {  	_ =	shalt  }
0x56: {  	_ =	shalt  }
0x57: {  	_ =	shalt  }
0x58: {  	_ =	shalt  }
0x59: {  	_ =	shalt  }
0x5a: {  	_ =	shalt  }
0x5b: {  	_ =	shalt  }
0x5c: {  	_ =	shalt  }
0x5d: {  	_ =	shalt  }
0x5e: {  	_ =	shalt  }
0x5f: {  	_ =	shalt  }
0x60: {  	_ =	shalt  }
0x61: {  	_ =	shalt  }
0x62: {  	_ =	shalt  }
0x63: {  	_ =	shalt  }
0x64: {  	_ =	shalt  }
0x65: {  	_ =	shalt  }
0x66: {  	_ =	shalt  }
0x67: {  	_ =	shalt  }
0x68: {  	_ =	shalt  }
0x69: {  	_ =	shalt  }
0x6a: {  	_ =	shalt  }
0x6b: {  	_ =	shalt  }
0x6c: {  	_ =	shalt  }
0x6d: {  	_ =	shalt  }
0x6e: {  	_ =	shalt  }
0x6f: {  	_ =	shalt  }
0x70: {  	_ =	shalt  }
0x71: {  	_ =	shalt  }
0x72: {  	_ =	shalt  }
0x73: {  	_ =	shalt  }
0x74: {  	_ =	shalt  }
0x75: {  	_ =	shalt  }
0x76: {  	_ =	shalt  }
0x77: {  	_ =	shalt  }
0x78: {  	_ =	shalt  }
0x79: {  	_ =	shalt  }
0x7a: {  	_ =	shalt  }
0x7b: {  	_ =	shalt  }
0x7c: {  	_ =	shalt  }
0x7d: {  	_ =	shalt  }
0x7e: {  	_ =	shalt  }
0x7f: {  	_ =	shalt  }
0x80: {  	_ =	shalt  }
0x81: {  	_ =	shalt  }
0x82: {  	_ =	shalt  }
0x83: {  	_ =	shalt  }
0x84: {  	_ =	shalt  }
0x85: {  	_ =	shalt  }
0x86: {  	_ =	shalt  }
0x87: {  	_ =	shalt  }
.Lfunc_end0:
.L_simem_size_0:
called_computation_lowered:
.L_overlay_start_0:
0x88: {  	s2 =	sld [smem:$0x3FD9]  }
0x89: {  	s3 =	sld [smem:$0x3FFE];
	_ =	sdelay $0x1  }
0x8a: {  	s1 =	srdreg.scid  }
0x8b: {  	s0 =	sand.u32 $0x1, s1  }
0x8c: {  	s17 =	sshll.u32 s0, $0xA;
	s2 =	sadd.s32 s3, s2  }
0x8d: {  	s2 =	sadd.s32 s2, s17  }
0x8e: {  	[smem:$0x3FC6] =	sst s2  }
0x8f: {  	_ = 	snop  }
0x90: {  	s2 =	sld [smem:$0x3FD0];
	(tm) =	ssettm $0x1  }
0x91: {  	s18 =	sld [smem:$0x3FFB];
	_ =	sdelay $0x3  }
0x92: {  	_ =	strace s18  }
0x93: {  	s3 =	sld [smem:$0x3FFC];
	_ =	sdelay $0x3  }
0x94: {  	_ =	strace s3  }
0x95: {  	s3 =	sld [smem:$0x3FFD];
	_ =	sdelay $0x3  }
0x96: {  	_ =	strace s3  }
0x97: {  	_ =	strace $0x8FFFFFFF  }
0x98: {  	s19 =	sld [smem:$0x3FDB];
	_ =	sdelay $0x1  }
0x99: {  	s4 =	simm.s32 $_scs_section_size  }
0x9a: {  	s5 =	simm.s32 $_size__tile_overlayer_lowered;
	s6 =	simm.s32 $_tile_overlayer_lowered  }
0x9b: {  	s22 =	simm.s32 $0x1BFF;
	s21 =	sshll.u32 s6, $0x1;
	s3 =	sadd.s32 s4, s19  }
0x9c: {  	s7 =	simm.s32 $0x0;
	s20 =	sshll.u32 s5, $0x1;
	s5 =	sadd.s32 s21, s3  }
0x9d: {  	[timem:s7], [sflag:s22] =	dma.local [hbm:s5], s20  }
0x9e: {  	_ =	swait.ge [sflag:s22], s20  }
0x9f: {  	s4 =	ssub.s32 $0x0, s20;
	[sflag:s22] =	ssyncset.done $0x0  }
0xa0: {  	[sflag:s22] =	ssyncadd.s32 s4;
	_ =	sdelay $0x1  }
0xa1: {  	s23 =	simm.s32 $0x1B8B  }
0xa2: {  	_ =	swait.ge [sflag:s23], $0x1  }
0xa3: {  	[sflag:s23] =	ssyncset.done $0x0  }
0xa4: {  	s25 =	simm.s32 $0x1B8E;
	s24 =	sld [smem:$0x3FFE];
	[sflag:s23] =	ssyncadd.s32 $0xFFFFFFFF  }
0xa5: {  	s26 =	simm.s32 $execute0_lowered;
	[smem:$0x3FD2] =	sst s25  }
0xa6: {  	s5 =	sshll.u32 s26, $0x1;
	_ =	strace $0x80000046;
	[dreg:$0x1] =	wrdreg $0xFFFFFFFF  }
0xa7: {  	s28 =	simm.s32 $_size_execute0_lowered;
	s3 =	sadd.s32 s3, s5;
	[dreg:$0x0] =	wrdreg $0x0  }
0xa8: {  	s5 =	sshll.u32 s28, $0x1;
	[dreg:$0x2] =	wrdreg s3  }
0xa9: {  	[dreg:$0x3] =	wrdreg s5  }
0xaa: {  	[dreg:$0x4] =	wrdreg $0xC0  }
0xab: {  	_ =	task [dreg:s7], $0x5FFFF  }
0xac: {  	[dreg:$0x1] =	wrdreg $0xFFFFFFFF  }
0xad: {  	[dreg:$0x0] =	wrdreg $0x60  }
0xae: {  	[dreg:$0x2] =	wrdreg s2  }
0xaf: {  	[dreg:$0x3] =	wrdreg s24  }
0xb0: {  	[dreg:$0x4] =	wrdreg $0x9  }
0xb1: {  	_ =	task.clear_ibuf [dreg:s7], $0x5FFFF;
	_ =	strace $0x90000046  }
0xb2: {  	s29 =	simm.s32 $0x9;
	_ =	strace $0x80000048  }
0xb3: {  	_ =	swait.ge [sflag:s29], $0x1  }
0xb4: {  	[sflag:s29] =	ssyncadd.s32 $0xFFFFFFFF  }
0xb5: {  	_ =	strace $0x90000048  }
0xb6: {  	_ =	sfence  }
0xb7: {  	s30 =	sld [smem:$0x0];
	_ =	sdelay $0x2  }
0xb8: {  	s31 =	sshll.u32 s1, $0xD;
	s1 =	sshrl.u32 s1, $0x2  }
0xb9: {  	s3 =	sand.u32 $0x4000, s31;
	s1 =	sadd.s32 s1, s30  }
0xba: {  	s0 =	sor.u32 s3, s0;
	s1 =	sshll.u32 s1, $0x11  }
0xbb: {  	s0 =	sor.u32 s1, s0  }
0xbc: {  	s0 =	sadd.s32 $0x8F2B, s0  }
0xbd: {  	[sflag:s0] =	ssyncadd.remote.s32 $0x1  }
0xbe: {  	_ =	sfence.sel $0xFFFF  }
0xbf: {  	[dreg:$0x0] =	wrdreg $0xFFFFFFFF;
	(pc) =	sbr.abs _section_cstart, $3  }
0xc0: {  	[dreg:$0x1] =	wrdreg $0xFFFFFFFF  }
0xc1: {  	_ =	task.clear_ibuf [dreg:s7], $0x2FFFF;
	_ =	strace $0x9FFFFFFF  }
0xc2: {  	(tm) =	ssettm $0x7FFFFFFF  }
0xc3: {  	_ =	shalt  }
tec
execute0_lowered:
.L_overlay_start_1:
0x0: {  	(tag) =	ssettag $0x1  }
0x1: {  	s6 =	rddreg [dreg:$0x0]  }
0x2: {  	s5 =	rddreg [dreg:$0x1]  }
0x3: {  	s0 =	rddreg [dreg:$0x2];
	s2 =	simm.s32 $0x0;
	s3 =	srdreg.scid  }
0x4: {  	s1 =	stileid.u32;
	s9 =	simm.s32 $0x1A800;
	s10 =	simm.s32 $0x2000  }
0x5: {  	s11 =	simm.s32 $0x80;
	s12 =	simm.s32 $0x400;
	s13 =	simm.s32 $0x0  }
0x6: {  	[smem:$0x7FF] =	sst s2;
	s3 =	sand.u32 $0x1, s3;
	s4 =	sshll.u32 s1, $0x6  }
0x7: {  	s7 =	ssub.s32 $0x2, s3;
	s3 =	sshll.u32 s3, $0x5;
	_ =	strace $0x80000047  }
0x8: {  	s8 =	sshrl.u32 s7, $0x1;
	s3 =	sor.u32 s3, s4;
	s4 =	sadd.s32 $0x400, s5  }
0x9: {  	s5 =	sadd.s32 $0x600, s5;
	s7 =	ssub.s32 s7, s8;
	s31 =	sshll.u32 s3, $0x5  }
0xa: {  	v0 =	vimm.f32 $0.0e+00;
	v1 =	vimm.f32 $1.000000000e+00;
	s8 =	simm.s32 $0x1;
	s6 =	sadd.s32 s6, s31;
	s7 =	smax.u32 s7, $0x1  }
.LBB2_1:
0xb: {  	[tilespmem:s2], [sflag:$0x1] =	stream.linear.gather [hbm4b:s6+s2], $0x2000, $0x38;
	[tilespmem:$0x1A880] =	vst v63  }
0xc: {  	_ =	swait.ge [sflag:s8], $0x2000  }
0xd: {  	[sflag:s8] =	ssyncset.done $0x0  }
0xe: {  	[sflag:s8] =	ssyncadd.s32 $0xFFFFE000  }
0xf: {  	[tilespmem:s9], [sflag:$0x1] =	stream.linear.gather [hbm4b:s4+s2], $0x80, $0x38;
	[tilespmem:$0x1A880] =	vst v63  }
0x10: {  	_ =	swait.ge [sflag:s8], $0x80  }
0x11: {  	[sflag:s8] =	ssyncset.done $0x0  }
0x12: {  	[sflag:s8] =	ssyncadd.s32 $0xFFFFFF80  }
0x13: {  	s14 =	simm.s32 $0x40;
	s15 =	simm.s32 $0x0;
	v2 =	vld [tilespmem:$0x1A800]  }
.LBB2_2:
0x14: {  	p0 =	sne.s32 s14, $0x61A40;
	[tilespmem:s15+$0x2000] =	vst v0;
	s15 =	smov.u32 s14;
	s14 =	sadd.s32 $0x40, s14  }
.Ltmp0:
0x15: {  	(pc) =	sbr.rel @p0 .LBB2_2-.Ltmp0, $2  }
0x16: {  	_ =	sdelay $0x2  }
0x17: {  	s15 =	sshra.s32 s15, $0x2  }
0x18: {  	v2 =	vmul.f32 $1.442695020e+00, v2;
	_ =	sdelay $0x1  }
0x19: {  	(erf) = vpow2.f32 v2;
	_ =	sdelay $0x8  }
0x1a: {  	[tilespmem:s15+$0x2000] =	vst v0;
	s14 =	simm.s32 $0x0;
	s15 =	simm.s32 $0x0;
	v2 =	vpop (erf)  }
.LBB2_4:
0x1b: {  	s16 =	sshll.u32 s15, $0x8;
	s17 =	sshll.u32 s15, $0x7  }
0x1c: {  	s16 =	sand.u32 $0x1800, s16;
	s17 =	sand.u32 $0x380, s17  }
0x1d: {  	s16 =	sor.u32 s17, s16  }
0x1e: {  	v3 =	vld [tilespmem:s16+$0x0];
	_ =	sdelay $0x7  }
0x1f: {  	[tilespmem:v3+s10+$0x0] =	vst.idx.add.f32.msk $0xffff, v1  }
0x20: {  	v3 =	vld [tilespmem:s16+$0x10];
	_ =	sdelay $0x7  }
0x21: {  	[tilespmem:v3+s10+$0x0] =	vst.idx.add.f32.msk $0xffff, v1  }
0x22: {  	v3 =	vld [tilespmem:s16+$0x20];
	_ =	sdelay $0x7  }
0x23: {  	[tilespmem:v3+s10+$0x0] =	vst.idx.add.f32.msk $0xffff, v1  }
0x24: {  	v3 =	vld [tilespmem:s16+$0x30];
	_ =	sdelay $0x7  }
0x25: {  	[tilespmem:v3+s10+$0x0] =	vst.idx.add.f32.msk $0xffff, v1  }
0x26: {  	v3 =	vld [tilespmem:s16+$0x40];
	_ =	sdelay $0x7  }
0x27: {  	[tilespmem:v3+s10+$0x0] =	vst.idx.add.f32.msk $0xffff, v1  }
0x28: {  	v3 =	vld [tilespmem:s16+$0x50];
	_ =	sdelay $0x7  }
0x29: {  	[tilespmem:v3+s10+$0x0] =	vst.idx.add.f32.msk $0xffff, v1  }
0x2a: {  	v3 =	vld [tilespmem:s16+$0x60];
	_ =	sdelay $0x7  }
0x2b: {  	[tilespmem:v3+s10+$0x0] =	vst.idx.add.f32.msk $0xffff, v1  }
0x2c: {  	v3 =	vld [tilespmem:s16+$0x70];
	_ =	sdelay $0x7  }
0x2d: {  	[tilespmem:v3+s10+$0x0] =	vst.idx.add.f32.msk $0xffff, v1  }
0x2e: {  	v3 =	vld [tilespmem:s16+$0x400];
	_ =	sdelay $0x7  }
0x2f: {  	[tilespmem:v3+s10+$0x0] =	vst.idx.add.f32.msk $0xffff, v1  }
0x30: {  	v3 =	vld [tilespmem:s16+$0x410];
	_ =	sdelay $0x7  }
0x31: {  	[tilespmem:v3+s10+$0x0] =	vst.idx.add.f32.msk $0xffff, v1  }
0x32: {  	v3 =	vld [tilespmem:s16+$0x420];
	_ =	sdelay $0x7  }
0x33: {  	[tilespmem:v3+s10+$0x0] =	vst.idx.add.f32.msk $0xffff, v1  }
0x34: {  	v3 =	vld [tilespmem:s16+$0x430];
	_ =	sdelay $0x7  }
0x35: {  	[tilespmem:v3+s10+$0x0] =	vst.idx.add.f32.msk $0xffff, v1  }
0x36: {  	v3 =	vld [tilespmem:s16+$0x440];
	_ =	sdelay $0x4  }
0x37: {  	s19 =	sand.u32 $0x1000, s14  }
0x38: {  	s19 =	sshrl.u32 s19, $0x2  }
0x39: {  	s20 =	sand.u32 $0x70, s14;
	s19 =	sadd.s32 s19, s16  }
0x3a: {  	s19 =	sadd.s32 s20, s19;
	[tilespmem:v3+s10+$0x0] =	vst.idx.add.f32.msk $0xffff, v1  }
0x3b: {  	v3 =	vld [tilespmem:s19+$0x0];
	_ =	sdelay $0x7  }
0x3c: {  	v4 =	vld.idx.msk [tilespmem:v3+s10+$0x0], $0xffff;
	_ =	sdelay $0x4  }
0x3d: {  	v5 =	vadd.f32 v4, v2;
	_ =	sdelay $0x1  }
0x3e: {  	(erf) = vrcp.f32 v5;
	_ =	sdelay $0x8  }
0x3f: {  	s30 =	simm.s32 $0x200;
	v5 =	vpop (erf)  }
0x40: {  	s19 =	sand.u32 $0x1000, s30;
	v4 =	vmul.f32 v5, v4  }
0x41: {  	s31 =	simm.s32 $0x10;
	s19 =	sshrl.u32 s19, $0x2;
	vm0 =	veq.s32 v3, $0x1  }
0x42: {  	s18 =	simm.s32 $0x1A700;
	s20 =	sand.u32 $0x70, s31;
	s19 =	sadd.s32 s19, s16;
	v3 =	vsel vm0, $0x0, v4  }
0x43: {  	s19 =	sadd.s32 s20, s19;
	[tilespmem:s18+$0x0] =	vst v3  }
0x44: {  	v3 =	vld [tilespmem:s19+$0x0];
	_ =	sdelay $0x7  }
0x45: {  	v4 =	vld.idx.msk [tilespmem:v3+s10+$0x0], $0xffff;
	_ =	sdelay $0x4  }
0x46: {  	v5 =	vadd.f32 v4, v2;
	_ =	sdelay $0x1  }
0x47: {  	(erf) = vrcp.f32 v5;
	_ =	sdelay $0x8  }
0x48: {  	s19 =	simm.s32 $0x400;
	v5 =	vpop (erf)  }
0x49: {  	s21 =	simm.s32 $0x20;
	s20 =	simm.s32 $0x30;
	s22 =	sand.u32 $0x1000, s19;
	v4 =	vmul.f32 v5, v4  }
.LBB2_5:
0x4a: {  	p0 =	seq.s32 s20, $0xC0;
	s22 =	sshrl.u32 s22, $0x2;
	vm0 =	veq.s32 v3, $0x1  }
0x4b: {  	s21 =	sand.u32 $0x70, s21;
	s18 =	sadd.s32 $0x10, s18;
	s22 =	sadd.s32 s22, s16;
	v3 =	vsel vm0, $0x0, v4  }
0x4c: {  	s22 =	sadd.s32 s21, s22;
	[tilespmem:s18+$0x0] =	vst v3;
	s21 =	smov.u32 s20  }
0x4d: {  	v3 =	vld [tilespmem:s22+$0x0];
	_ =	sdelay $0x7  }
0x4e: {  	v4 =	vld.idx.msk [tilespmem:v3+s10+$0x0], $0xffff;
	_ =	sdelay $0x5  }
0x4f: {  	v5 =	vadd.f32 v4, v2;
	_ =	sdelay $0x1  }
0x50: {  	(erf) = vrcp.f32 v5;
	_ =	sdelay $0x5  }
.Ltmp1:
0x51: {  	(pc) =	sbr.rel @!p0 .LBB2_5-.Ltmp1, $3  }
0x52: {  	_ =	sdelay $0x1  }
0x53: {  	s19 =	sadd.s32 $0x200, s19;
	v5 =	vpop (erf)  }
0x54: {  	s20 =	sadd.s32 $0x10, s20;
	s22 =	sand.u32 $0x1000, s19;
	v4 =	vmul.f32 v5, v4  }
0x55: {  	s19 =	sshrl.u32 s22, $0x2;
	vm0 =	veq.s32 v3, $0x1  }
0x56: {  	s20 =	sand.u32 $0x70, s21;
	s18 =	sadd.s32 $0x10, s18;
	s19 =	sadd.s32 s19, s16;
	v3 =	vsel vm0, $0x0, v4  }
0x57: {  	s19 =	sadd.s32 s20, s19;
	[tilespmem:s18+$0x0] =	vst v3  }
0x58: {  	v3 =	vld [tilespmem:s19+$0x0];
	_ =	sdelay $0x7  }
0x59: {  	v62 =	vld.idx.msk [tilespmem:v3+s10+$0x0], $0xffff;
	_ =	sdelay $0x4  }
0x5a: {  	v5 =	vadd.f32 v62, v2;
	_ =	sdelay $0x1  }
0x5b: {  	(erf) = vrcp.f32 v5;
	_ =	sdelay $0x8  }
0x5c: {  	v5 =	vpop (erf)  }
0x5d: {  	v4 =	vmul.f32 v5, v62  }
0x5e: {  	vm15 =	veq.s32 v3, $0x1  }
0x5f: {  	s18 =	sadd.s32 $0x10, s18;
	v3 =	vsel vm15, $0x0, v4  }
0x60: {  	[tilespmem:s18+$0x0] =	vst v3  }
0x61: {  	v3 =	vld [tilespmem:s16+$0x0];
	_ =	sdelay $0x2  }
0x62: {  	v63 =	vld [tilespmem:$0x1A700];
	_ =	sdelay $0x4  }
0x63: {  	[tilespmem:v3+s10+$0x0] =	vst.idx.msk $0xffff, v63  }
0x64: {  	v3 =	vld [tilespmem:s16+$0x10];
	_ =	sdelay $0x2  }
0x65: {  	v4 =	vld [tilespmem:$0x1A710];
	_ =	sdelay $0x4  }
0x66: {  	[tilespmem:v3+s10+$0x0] =	vst.idx.msk $0xffff, v4  }
0x67: {  	v3 =	vld [tilespmem:s16+$0x20];
	_ =	sdelay $0x2  }
0x68: {  	v4 =	vld [tilespmem:$0x1A720];
	_ =	sdelay $0x4  }
0x69: {  	[tilespmem:v3+s10+$0x0] =	vst.idx.msk $0xffff, v4  }
0x6a: {  	v3 =	vld [tilespmem:s16+$0x30];
	_ =	sdelay $0x2  }
0x6b: {  	v4 =	vld [tilespmem:$0x1A730];
	_ =	sdelay $0x4  }
0x6c: {  	[tilespmem:v3+s10+$0x0] =	vst.idx.msk $0xffff, v4  }
0x6d: {  	v3 =	vld [tilespmem:s16+$0x40];
	_ =	sdelay $0x2  }
0x6e: {  	v4 =	vld [tilespmem:$0x1A740];
	_ =	sdelay $0x4  }
0x6f: {  	[tilespmem:v3+s10+$0x0] =	vst.idx.msk $0xffff, v4  }
0x70: {  	v3 =	vld [tilespmem:s16+$0x50];
	_ =	sdelay $0x2  }
0x71: {  	v4 =	vld [tilespmem:$0x1A750];
	_ =	sdelay $0x4  }
0x72: {  	[tilespmem:v3+s10+$0x0] =	vst.idx.msk $0xffff, v4  }
0x73: {  	v3 =	vld [tilespmem:s16+$0x60];
	_ =	sdelay $0x2  }
0x74: {  	v4 =	vld [tilespmem:$0x1A760];
	_ =	sdelay $0x4  }
0x75: {  	[tilespmem:v3+s10+$0x0] =	vst.idx.msk $0xffff, v4  }
0x76: {  	v3 =	vld [tilespmem:s16+$0x70];
	_ =	sdelay $0x2  }
0x77: {  	v4 =	vld [tilespmem:$0x1A770];
	_ =	sdelay $0x4  }
0x78: {  	[tilespmem:v3+s10+$0x0] =	vst.idx.msk $0xffff, v4  }
0x79: {  	v3 =	vld [tilespmem:s16+$0x400];
	_ =	sdelay $0x2  }
0x7a: {  	v4 =	vld [tilespmem:$0x1A780];
	_ =	sdelay $0x4  }
0x7b: {  	[tilespmem:v3+s10+$0x0] =	vst.idx.msk $0xffff, v4  }
0x7c: {  	v3 =	vld [tilespmem:s16+$0x410];
	_ =	sdelay $0x2  }
0x7d: {  	v4 =	vld [tilespmem:$0x1A790];
	_ =	sdelay $0x4  }
0x7e: {  	[tilespmem:v3+s10+$0x0] =	vst.idx.msk $0xffff, v4  }
0x7f: {  	v3 =	vld [tilespmem:s16+$0x420];
	_ =	sdelay $0x2  }
0x80: {  	v4 =	vld [tilespmem:$0x1A7A0];
	_ =	sdelay $0x4  }
0x81: {  	[tilespmem:v3+s10+$0x0] =	vst.idx.msk $0xffff, v4  }
0x82: {  	v3 =	vld [tilespmem:s16+$0x430];
	_ =	sdelay $0x2  }
0x83: {  	v4 =	vld [tilespmem:$0x1A7B0];
	_ =	sdelay $0x4  }
0x84: {  	[tilespmem:v3+s10+$0x0] =	vst.idx.msk $0xffff, v4  }
0x85: {  	v3 =	vld [tilespmem:s16+$0x440];
	_ =	sdelay $0x1  }
0x86: {  	s31 =	sor.u32 s3, s15  }
0x87: {  	s18 =	sshrl.u32 s31, $0x3;
	v4 =	vld [tilespmem:$0x1A7C0]  }
0x88: {  	s18 =	smul.u32 $0xC3800, s18;
	_ =	sdelay $0x1  }
0x89: {  	s17 =	sor.u32 s17, s18  }
0x8a: {  	s17 =	sshrl.u32 s17, $0x3  }
0x8b: {  	s17 =	sadd.s32 s5, s17;
	[tilespmem:v3+s10+$0x0] =	vst.idx.msk $0xffff, v4  }
0x8c: {  	[hbm4b:s17+s11] =	stream.strided.scatter [tilespmem:s10], [sflag:$0x1], $0x18700, s12, s11, $0x38;
	[tilespmem:$0x1A880] =	vst v63  }
0x8d: {  	_ =	swait.ge [sflag:s8], $0x18700  }
0x8e: {  	[sflag:s8] =	ssyncset.done $0x0  }
0x8f: {  	[sflag:s8] =	ssyncadd.s32 $0xFFFE7900  }
0x90: {  	v3 =	vld [tilespmem:s16+$0x0];
	_ =	sdelay $0x7  }
0x91: {  	[tilespmem:v3+s10+$0x0] =	vst.idx.msk $0xffff, v0  }
0x92: {  	v3 =	vld [tilespmem:s16+$0x10];
	_ =	sdelay $0x7  }
0x93: {  	[tilespmem:v3+s10+$0x0] =	vst.idx.msk $0xffff, v0  }
0x94: {  	v3 =	vld [tilespmem:s16+$0x20];
	_ =	sdelay $0x7  }
0x95: {  	[tilespmem:v3+s10+$0x0] =	vst.idx.msk $0xffff, v0  }
0x96: {  	v3 =	vld [tilespmem:s16+$0x30];
	_ =	sdelay $0x7  }
0x97: {  	[tilespmem:v3+s10+$0x0] =	vst.idx.msk $0xffff, v0  }
0x98: {  	v3 =	vld [tilespmem:s16+$0x40];
	_ =	sdelay $0x7  }
0x99: {  	[tilespmem:v3+s10+$0x0] =	vst.idx.msk $0xffff, v0  }
0x9a: {  	v3 =	vld [tilespmem:s16+$0x50];
	_ =	sdelay $0x7  }
0x9b: {  	[tilespmem:v3+s10+$0x0] =	vst.idx.msk $0xffff, v0  }
0x9c: {  	v3 =	vld [tilespmem:s16+$0x60];
	_ =	sdelay $0x7  }
0x9d: {  	[tilespmem:v3+s10+$0x0] =	vst.idx.msk $0xffff, v0  }
0x9e: {  	v3 =	vld [tilespmem:s16+$0x70];
	_ =	sdelay $0x7  }
0x9f: {  	[tilespmem:v3+s10+$0x0] =	vst.idx.msk $0xffff, v0  }
0xa0: {  	v3 =	vld [tilespmem:s16+$0x400];
	_ =	sdelay $0x7  }
0xa1: {  	[tilespmem:v3+s10+$0x0] =	vst.idx.msk $0xffff, v0  }
0xa2: {  	v3 =	vld [tilespmem:s16+$0x410];
	_ =	sdelay $0x7  }
0xa3: {  	[tilespmem:v3+s10+$0x0] =	vst.idx.msk $0xffff, v0  }
0xa4: {  	v3 =	vld [tilespmem:s16+$0x420];
	_ =	sdelay $0x7  }
0xa5: {  	[tilespmem:v3+s10+$0x0] =	vst.idx.msk $0xffff, v0  }
0xa6: {  	v3 =	vld [tilespmem:s16+$0x430];
	_ =	sdelay $0x7  }
0xa7: {  	[tilespmem:v3+s10+$0x0] =	vst.idx.msk $0xffff, v0  }
0xa8: {  	v3 =	vld [tilespmem:s16+$0x440];
	_ =	sdelay $0x1  }
0xa9: {  	s15 =	sadd.s32 $0x1, s15  }
0xaa: {  	p0 =	seq.s32 s15, $0x20  }
.Ltmp2:
0xab: {  	_ = 	snop;
	(pc) =	sbr.rel @!p0 .LBB2_4-.Ltmp2, $2  }
0xac: {  	_ =	sdelay $0x2  }
0xad: {  	[tilespmem:v3+s10+$0x0] =	vst.idx.msk $0xffff, v0  }
0xae: {  	s13 =	sadd.s32 $0x1, s13  }
0xaf: {  	p0 =	sne.s32 s13, s7  }
.Ltmp3:
0xb0: {  	_ = 	snop;
	(pc) =	sbr.rel @p0 .LBB2_1-.Ltmp3, $1  }
0xb1: {  	_ =	sdelay $0x3  }
0xb2: {  	_ =	sfence.sel $0x180000  }
0xb3: {  	[bflag:$0x0] =	sbarrier.arrive $0xFFFF  }
0xb4: {  	p0 =	sne.s32 s1, $0x0;
	_ =	strace $0x90000047  }
0xb5: {  	s0 =	sadd.s32 @!p0 $0x100000, s0;
	[bflag:$0x2] =	sbarrier.arrive $0xFFFF  }
0xb6: {  	[sflag:s0] =	ssyncadd.tile.s32 @!p0 $0x1;
	_ =	shalt  }
.Lfunc_end2:
_tile_overlayer_lowered:
.L_overlay_start_2:
0xb7: {  	(tag) =	ssettag $0x2  }
0xb8: {  	s0 =	rddreg [dreg:$0x0];
	s2 =	stileid.u32  }
0xb9: {  	s1 =	rddreg [dreg:$0x1];
	p0 =	sne.s32 s2, $0x0  }
0xba: {  	s3 =	rddreg [dreg:$0x2];
	[bflag:$0x3] =	sbarrier.arrive $0xFFFF;
	s2 =	simm.s32 @!p0 $0x1C01  }
0xbb: {  	[timem:s3], [sflag:s2] =	dma.local @!p0 [hbm:s0], s1  }
0xbc: {  	s0 =	simm.s32 @!p0 $0x1  }
0xbd: {  	_ =	swait.ge @!p0 [sflag:s0], s1  }
0xbe: {  	s1 =	ssub.s32 @!p0 $0x0, s1;
	[sflag:s0] =	ssyncset.done @!p0 $0x0  }
0xbf: {  	[sflag:s0] =	ssyncadd.s32 @!p0 s1  }
0xc0: {  	[bflag:$0x3] =	sbarrier.arrive $0xFFFF  }
0xc1: {  	_ =	shalt  }

</sc_bundles>
